<compile_context>
chip_gen: v7x
topology: tpu7x:2x2x1
jax: 0.10.2.dev20260603
libtpu: 0.0.44.dev20260713+nightly
codegen_flags: <defaults>
</compile_context>

<pallas_src>
import functools

import jax
import jax.numpy as jnp
from jax.experimental import pallas as pl
from jax.experimental.pallas import tpu as pltpu

N, C, H, WD = 2, 192, 224, 224
CO = 384
TILE_H = 8
WP = 240
HP = H + 2
M = TILE_H * WP


def _conv_body(x_ref, w_ref, b_ref, o_ref):
    full = x_ref[0].reshape((TILE_H + 2) * WP, C)
    zrow = jnp.zeros((1, C), jnp.bfloat16)
    shifted = (
        jnp.concatenate([zrow, full[:-1]], axis=0),
        full,
        jnp.concatenate([full[1:], zrow], axis=0),
    )
    acc = jnp.broadcast_to(b_ref[0][None, :], (M, CO)).astype(jnp.float32)
    for kh in range(3):
        for kw in range(3):
            lhs = shifted[kw][kh * WP:kh * WP + M]
            acc = acc + jnp.dot(lhs, w_ref[kh * 3 + kw],
                                preferred_element_type=jnp.float32)
    o_ref[0] = acc.reshape(TILE_H, WP, CO)[:, 8:8 + WD, :]


@jax.jit
def kernel(x, W, b):
    xt = jnp.transpose(x, (0, 2, 3, 1)).astype(jnp.bfloat16)
    xp = jnp.pad(xt, ((0, 0), (1, 1), (8, 8), (0, 0)))
    wt = jnp.transpose(W, (2, 3, 1, 0)).reshape(9, C, CO).astype(jnp.bfloat16)
    b2 = b.reshape(1, CO)

    n_tiles = H // TILE_H
    out_nhwc = pl.pallas_call(
        _conv_body,
        grid=(N, n_tiles),
        in_specs=[
            pl.BlockSpec(
                (pl.Element(1), pl.Element(TILE_H + 2),
                 pl.Element(WP), pl.Element(C)),
                lambda n, i: (n, i * TILE_H, 0, 0),
            ),
            pl.BlockSpec((9, C, CO), lambda n, i: (0, 0, 0)),
            pl.BlockSpec((1, CO), lambda n, i: (0, 0)),
        ],
        out_specs=pl.BlockSpec((1, TILE_H, WD, CO),
                               lambda n, i: (n, i, 0, 0)),
        out_shape=jax.ShapeDtypeStruct((N, H, WD, CO), jnp.float32),
        compiler_params=pltpu.CompilerParams(
            dimension_semantics=("parallel", "parallel"),
        ),
    )(xp, wt, b2)
    return jnp.transpose(out_nhwc, (0, 3, 1, 2))

# --- scband reference (transcript-rebuilt; emitter-appended) ---
"""Pipeline reference for scband-proto-conv2d-8452495638613 (READ-ONLY COPY).

The authoritative reference and input builder live on the scoring server;
editing this copy changes nothing except your own understanding.
"""

import jax, jax.numpy as jnp
import numpy as np


def setup_inputs(seed: int = 0) -> dict:
    key = jax.random.key(seed)
    k1, k2, k3 = jax.random.split(key, 3)
    x = jax.random.normal(k1, (2, 192, 224, 224), dtype=jnp.float32)
    fan_in = 192 * 3 * 3
    bound = 1.0 / np.sqrt(fan_in)
    W = jax.random.uniform(k2, (384, 192, 3, 3), minval=-bound, maxval=bound, dtype=jnp.float32)
    b = jax.random.uniform(k3, (384,), minval=-bound, maxval=bound, dtype=jnp.float32)
    return {"x": x, "W": W, "b": b}


def reference(x, W, b):
    # ProtoConv2d.forward with center_infos=None reduces to a plain conv2d
    out = jax.lax.conv_general_dilated(
        x, W,
        window_strides=(1, 1),
        padding=((1, 1), (1, 1)),
        lhs_dilation=(1, 1),
        rhs_dilation=(1, 1),
        dimension_numbers=("NCHW", "OIHW", "NCHW"),
        feature_group_count=1,
    )
    out = out + b[None, :, None, None]
    return out

if __name__ == "__main__":
    import jax
    _d = setup_inputs()
    print(jax.jit(kernel)(*tuple(_d.values())))

</pallas_src>

<mosaic_0001>
module attributes {stable_mosaic.version = 14 : i64} {
  func.func @_conv_body(%arg0: i32, %arg1: i32, %arg2: memref<1x10x240x192xbf16, #tpu.memory_space<vmem>>, %arg3: memref<9x192x384xbf16, #tpu.memory_space<vmem>>, %arg4: memref<1x384xf32, #tpu.memory_space<vmem>>, %arg5: memref<1x8x224x384xf32, #tpu.memory_space<vmem>>) attributes {dimension_semantics = [#tpu.dimension_semantics<parallel>, #tpu.dimension_semantics<parallel>], iteration_bounds = array<i64: 2, 28>, scalar_prefetch = 0 : i64, scratch_operands = 0 : i64, tpu.core_type = #tpu.core_type<tc>, window_params = [{transform_indices = @transform_0, window_bounds = array<i64: 1, 10, 240, 192>, window_kind = #tpu.element_window<[0, 0, 0, 0], [0, 0, 0, 0]>}, {pipeline_mode = #tpu.pipeline_mode<synchronous>, transform_indices = @transform_1, window_bounds = array<i64: 9, 192, 384>}, {pipeline_mode = #tpu.pipeline_mode<synchronous>, transform_indices = @transform_2, window_bounds = array<i64: 1, 384>}, {transform_indices = @transform_3, window_bounds = array<i64: 1, 8, 224, 384>}]} {
    %get3A = arith.constant 0 : index
    %get3A_0 = arith.constant 0 : index
    %get3A_1 = arith.constant 0 : index
    %get3A_2 = arith.constant 0 : index
    %get3A_3 = vector.load %arg2[%get3A, %get3A_0, %get3A_1, %get3A_2] : memref<1x10x240x192xbf16, #tpu.memory_space<vmem>>, vector<1x10x240x192xbf16>
    %get3A_4 = vector.shape_cast %get3A_3 : vector<1x10x240x192xbf16> to vector<10x240x192xbf16>
    %reshape3A = vector.shape_cast %get3A_4 : vector<10x240x192xbf16> to vector<2400x192xbf16>
    %broadcast_in_dim3A = arith.constant 0.000000e+00 : bf16
    %broadcast_in_dim3A_5 = vector.broadcast %broadcast_in_dim3A : bf16 to vector<1x192xbf16>
    %slice3A = vector.extract_strided_slice %reshape3A {offsets = [0, 0], sizes = [2399, 192], strides = [1, 1]} : vector<2400x192xbf16> to vector<2399x192xbf16>
    %concatenate3A = tpu.concatenate %broadcast_in_dim3A_5, %slice3A in 0 : vector<1x192xbf16>, vector<2399x192xbf16> -> vector<2400x192xbf16>
    %slice3A_6 = vector.extract_strided_slice %reshape3A {offsets = [1, 0], sizes = [2399, 192], strides = [1, 1]} : vector<2400x192xbf16> to vector<2399x192xbf16>
    %concatenate3A_7 = tpu.concatenate %slice3A_6, %broadcast_in_dim3A_5 in 0 : vector<2399x192xbf16>, vector<1x192xbf16> -> vector<2400x192xbf16>
    %get3A_8 = arith.constant 0 : index
    %get3A_9 = arith.constant 0 : index
    %get3A_10 = vector.load %arg4[%get3A_8, %get3A_9] : memref<1x384xf32, #tpu.memory_space<vmem>>, vector<1x384xf32>
    %get3A_11 = vector.shape_cast %get3A_10 : vector<1x384xf32> to vector<384xf32>
    %broadcast_in_dim3A_12 = vector.shape_cast %get3A_11 : vector<384xf32> to vector<1x384xf32>
    %broadcast_in_dim3A_13 = vector.shape_cast %broadcast_in_dim3A_12 : vector<1x384xf32> to vector<1x384xf32>
    %broadcast_in_dim3A_14 = vector.broadcast %broadcast_in_dim3A_13 : vector<1x384xf32> to vector<1920x384xf32>
    %slice3A_15 = vector.extract_strided_slice %concatenate3A {offsets = [0, 0], sizes = [1920, 192], strides = [1, 1]} : vector<2400x192xbf16> to vector<1920x192xbf16>
    %get3A_16 = arith.constant 0 : index
    %get3A_17 = arith.constant 0 : index
    %get3A_18 = arith.constant 0 : index
    %get3A_19 = vector.load %arg3[%get3A_16, %get3A_17, %get3A_18] : memref<9x192x384xbf16, #tpu.memory_space<vmem>>, vector<1x192x384xbf16>
    %get3A_20 = vector.shape_cast %get3A_19 : vector<1x192x384xbf16> to vector<192x384xbf16>
    %dot_general3A = arith.constant dense<0.000000e+00> : vector<1920x384xf32>
    %dot_general3A_21 = tpu.matmul %slice3A_15, %get3A_20, %dot_general3A {dimension_numbers = #tpu.dot_dimension_numbers<[1], [0], [0], [1], [0, 0, 1, 1], [], []>, transpose_lhs_hint = false} : vector<1920x192xbf16>, vector<192x384xbf16>, vector<1920x384xf32> -> vector<1920x384xf32>
    %add3A = arith.addf %broadcast_in_dim3A_14, %dot_general3A_21 : vector<1920x384xf32>
    %slice3A_22 = vector.extract_strided_slice %reshape3A {offsets = [0, 0], sizes = [1920, 192], strides = [1, 1]} : vector<2400x192xbf16> to vector<1920x192xbf16>
    %get3A_23 = arith.constant 1 : index
    %get3A_24 = arith.constant 0 : index
    %get3A_25 = arith.constant 0 : index
    %get3A_26 = vector.load %arg3[%get3A_23, %get3A_24, %get3A_25] : memref<9x192x384xbf16, #tpu.memory_space<vmem>>, vector<1x192x384xbf16>
    %get3A_27 = vector.shape_cast %get3A_26 : vector<1x192x384xbf16> to vector<192x384xbf16>
    %dot_general3A_28 = arith.constant dense<0.000000e+00> : vector<1920x384xf32>
    %dot_general3A_29 = tpu.matmul %slice3A_22, %get3A_27, %dot_general3A_28 {dimension_numbers = #tpu.dot_dimension_numbers<[1], [0], [0], [1], [0, 0, 1, 1], [], []>, transpose_lhs_hint = false} : vector<1920x192xbf16>, vector<192x384xbf16>, vector<1920x384xf32> -> vector<1920x384xf32>
    %add3A_30 = arith.addf %add3A, %dot_general3A_29 : vector<1920x384xf32>
    %slice3A_31 = vector.extract_strided_slice %concatenate3A_7 {offsets = [0, 0], sizes = [1920, 192], strides = [1, 1]} : vector<2400x192xbf16> to vector<1920x192xbf16>
    %get3A_32 = arith.constant 2 : index
    %get3A_33 = arith.constant 0 : index
    %get3A_34 = arith.constant 0 : index
    %get3A_35 = vector.load %arg3[%get3A_32, %get3A_33, %get3A_34] : memref<9x192x384xbf16, #tpu.memory_space<vmem>>, vector<1x192x384xbf16>
    %get3A_36 = vector.shape_cast %get3A_35 : vector<1x192x384xbf16> to vector<192x384xbf16>
    %dot_general3A_37 = arith.constant dense<0.000000e+00> : vector<1920x384xf32>
    %dot_general3A_38 = tpu.matmul %slice3A_31, %get3A_36, %dot_general3A_37 {dimension_numbers = #tpu.dot_dimension_numbers<[1], [0], [0], [1], [0, 0, 1, 1], [], []>, transpose_lhs_hint = false} : vector<1920x192xbf16>, vector<192x384xbf16>, vector<1920x384xf32> -> vector<1920x384xf32>
    %add3A_39 = arith.addf %add3A_30, %dot_general3A_38 : vector<1920x384xf32>
    %slice3A_40 = vector.extract_strided_slice %concatenate3A {offsets = [240, 0], sizes = [1920, 192], strides = [1, 1]} : vector<2400x192xbf16> to vector<1920x192xbf16>
    %get3A_41 = arith.constant 3 : index
    %get3A_42 = arith.constant 0 : index
    %get3A_43 = arith.constant 0 : index
    %get3A_44 = vector.load %arg3[%get3A_41, %get3A_42, %get3A_43] : memref<9x192x384xbf16, #tpu.memory_space<vmem>>, vector<1x192x384xbf16>
    %get3A_45 = vector.shape_cast %get3A_44 : vector<1x192x384xbf16> to vector<192x384xbf16>
    %dot_general3A_46 = arith.constant dense<0.000000e+00> : vector<1920x384xf32>
    %dot_general3A_47 = tpu.matmul %slice3A_40, %get3A_45, %dot_general3A_46 {dimension_numbers = #tpu.dot_dimension_numbers<[1], [0], [0], [1], [0, 0, 1, 1], [], []>, transpose_lhs_hint = false} : vector<1920x192xbf16>, vector<192x384xbf16>, vector<1920x384xf32> -> vector<1920x384xf32>
    %add3A_48 = arith.addf %add3A_39, %dot_general3A_47 : vector<1920x384xf32>
    %slice3A_49 = vector.extract_strided_slice %reshape3A {offsets = [240, 0], sizes = [1920, 192], strides = [1, 1]} : vector<2400x192xbf16> to vector<1920x192xbf16>
    %get3A_50 = arith.constant 4 : index
    %get3A_51 = arith.constant 0 : index
    %get3A_52 = arith.constant 0 : index
    %get3A_53 = vector.load %arg3[%get3A_50, %get3A_51, %get3A_52] : memref<9x192x384xbf16, #tpu.memory_space<vmem>>, vector<1x192x384xbf16>
    %get3A_54 = vector.shape_cast %get3A_53 : vector<1x192x384xbf16> to vector<192x384xbf16>
    %dot_general3A_55 = arith.constant dense<0.000000e+00> : vector<1920x384xf32>
    %dot_general3A_56 = tpu.matmul %slice3A_49, %get3A_54, %dot_general3A_55 {dimension_numbers = #tpu.dot_dimension_numbers<[1], [0], [0], [1], [0, 0, 1, 1], [], []>, transpose_lhs_hint = false} : vector<1920x192xbf16>, vector<192x384xbf16>, vector<1920x384xf32> -> vector<1920x384xf32>
    %add3A_57 = arith.addf %add3A_48, %dot_general3A_56 : vector<1920x384xf32>
    %slice3A_58 = vector.extract_strided_slice %concatenate3A_7 {offsets = [240, 0], sizes = [1920, 192], strides = [1, 1]} : vector<2400x192xbf16> to vector<1920x192xbf16>
    %get3A_59 = arith.constant 5 : index
    %get3A_60 = arith.constant 0 : index
    %get3A_61 = arith.constant 0 : index
    %get3A_62 = vector.load %arg3[%get3A_59, %get3A_60, %get3A_61] : memref<9x192x384xbf16, #tpu.memory_space<vmem>>, vector<1x192x384xbf16>
    %get3A_63 = vector.shape_cast %get3A_62 : vector<1x192x384xbf16> to vector<192x384xbf16>
    %dot_general3A_64 = arith.constant dense<0.000000e+00> : vector<1920x384xf32>
    %dot_general3A_65 = tpu.matmul %slice3A_58, %get3A_63, %dot_general3A_64 {dimension_numbers = #tpu.dot_dimension_numbers<[1], [0], [0], [1], [0, 0, 1, 1], [], []>, transpose_lhs_hint = false} : vector<1920x192xbf16>, vector<192x384xbf16>, vector<1920x384xf32> -> vector<1920x384xf32>
    %add3A_66 = arith.addf %add3A_57, %dot_general3A_65 : vector<1920x384xf32>
    %slice3A_67 = vector.extract_strided_slice %concatenate3A {offsets = [480, 0], sizes = [1920, 192], strides = [1, 1]} : vector<2400x192xbf16> to vector<1920x192xbf16>
    %get3A_68 = arith.constant 6 : index
    %get3A_69 = arith.constant 0 : index
    %get3A_70 = arith.constant 0 : index
    %get3A_71 = vector.load %arg3[%get3A_68, %get3A_69, %get3A_70] : memref<9x192x384xbf16, #tpu.memory_space<vmem>>, vector<1x192x384xbf16>
    %get3A_72 = vector.shape_cast %get3A_71 : vector<1x192x384xbf16> to vector<192x384xbf16>
    %dot_general3A_73 = arith.constant dense<0.000000e+00> : vector<1920x384xf32>
    %dot_general3A_74 = tpu.matmul %slice3A_67, %get3A_72, %dot_general3A_73 {dimension_numbers = #tpu.dot_dimension_numbers<[1], [0], [0], [1], [0, 0, 1, 1], [], []>, transpose_lhs_hint = false} : vector<1920x192xbf16>, vector<192x384xbf16>, vector<1920x384xf32> -> vector<1920x384xf32>
    %add3A_75 = arith.addf %add3A_66, %dot_general3A_74 : vector<1920x384xf32>
    %slice3A_76 = vector.extract_strided_slice %reshape3A {offsets = [480, 0], sizes = [1920, 192], strides = [1, 1]} : vector<2400x192xbf16> to vector<1920x192xbf16>
    %get3A_77 = arith.constant 7 : index
    %get3A_78 = arith.constant 0 : index
    %get3A_79 = arith.constant 0 : index
    %get3A_80 = vector.load %arg3[%get3A_77, %get3A_78, %get3A_79] : memref<9x192x384xbf16, #tpu.memory_space<vmem>>, vector<1x192x384xbf16>
    %get3A_81 = vector.shape_cast %get3A_80 : vector<1x192x384xbf16> to vector<192x384xbf16>
    %dot_general3A_82 = arith.constant dense<0.000000e+00> : vector<1920x384xf32>
    %dot_general3A_83 = tpu.matmul %slice3A_76, %get3A_81, %dot_general3A_82 {dimension_numbers = #tpu.dot_dimension_numbers<[1], [0], [0], [1], [0, 0, 1, 1], [], []>, transpose_lhs_hint = false} : vector<1920x192xbf16>, vector<192x384xbf16>, vector<1920x384xf32> -> vector<1920x384xf32>
    %add3A_84 = arith.addf %add3A_75, %dot_general3A_83 : vector<1920x384xf32>
    %slice3A_85 = vector.extract_strided_slice %concatenate3A_7 {offsets = [480, 0], sizes = [1920, 192], strides = [1, 1]} : vector<2400x192xbf16> to vector<1920x192xbf16>
    %get3A_86 = arith.constant 8 : index
    %get3A_87 = arith.constant 0 : index
    %get3A_88 = arith.constant 0 : index
    %get3A_89 = vector.load %arg3[%get3A_86, %get3A_87, %get3A_88] : memref<9x192x384xbf16, #tpu.memory_space<vmem>>, vector<1x192x384xbf16>
    %get3A_90 = vector.shape_cast %get3A_89 : vector<1x192x384xbf16> to vector<192x384xbf16>
    %dot_general3A_91 = arith.constant dense<0.000000e+00> : vector<1920x384xf32>
    %dot_general3A_92 = tpu.matmul %slice3A_85, %get3A_90, %dot_general3A_91 {dimension_numbers = #tpu.dot_dimension_numbers<[1], [0], [0], [1], [0, 0, 1, 1], [], []>, transpose_lhs_hint = false} : vector<1920x192xbf16>, vector<192x384xbf16>, vector<1920x384xf32> -> vector<1920x384xf32>
    %add3A_93 = arith.addf %add3A_84, %dot_general3A_92 : vector<1920x384xf32>
    %reshape3A_94 = vector.shape_cast %add3A_93 : vector<1920x384xf32> to vector<8x240x384xf32>
    %slice3A_95 = vector.extract_strided_slice %reshape3A_94 {offsets = [0, 8, 0], sizes = [8, 224, 384], strides = [1, 1, 1]} : vector<8x240x384xf32> to vector<8x224x384xf32>
    %swap3A = arith.constant 0 : index
    %swap3A_96 = arith.constant 0 : index
    %swap3A_97 = arith.constant 0 : index
    %swap3A_98 = arith.constant 0 : index
    %swap3A_99 = vector.load %arg5[%swap3A, %swap3A_96, %swap3A_97, %swap3A_98] : memref<1x8x224x384xf32, #tpu.memory_space<vmem>>, vector<1x8x224x384xf32>
    %swap3A_100 = vector.shape_cast %swap3A_99 : vector<1x8x224x384xf32> to vector<8x224x384xf32>
    %swap3A_101 = vector.shape_cast %slice3A_95 : vector<8x224x384xf32> to vector<1x8x224x384xf32>
    tpu.vector_store %arg5[%swap3A, %swap3A_96, %swap3A_97, %swap3A_98], %swap3A_101 {strides = array<i32>} : memref<1x8x224x384xf32, #tpu.memory_space<vmem>>, vector<1x8x224x384xf32>,
    return
  }
  func.func @transform_0(%arg0: i32, %arg1: i32) -> (i32, i32, i32, i32) {
    %mul3A = arith.constant 8 : i32
    %mul3A_0 = arith.muli %arg1, %mul3A : i32
    %c0_i32 = arith.constant 0 : i32
    %c0_i32_1 = arith.constant 0 : i32
    %c0_i32_2 = arith.constant 0 : i32
    return %arg0, %mul3A_0, %c0_i32, %c0_i32_1 : i32, i32, i32, i32
  }
  func.func @transform_1(%arg0: i32, %arg1: i32) -> (i32, i32, i32) {
    %c0_i32 = arith.constant 0 : i32
    %c0_i32_0 = arith.constant 0 : i32
    %c0_i32_1 = arith.constant 0 : i32
    %c0_i32_2 = arith.constant 0 : i32
    return %c0_i32, %c0_i32_0, %c0_i32_1 : i32, i32, i32
  }
  func.func @transform_2(%arg0: i32, %arg1: i32) -> (i32, i32) {
    %c0_i32 = arith.constant 0 : i32
    %c0_i32_0 = arith.constant 0 : i32
    %c0_i32_1 = arith.constant 0 : i32
    return %c0_i32, %c0_i32_0 : i32, i32
  }
  func.func @transform_3(%arg0: i32, %arg1: i32) -> (i32, i32, i32, i32) {
    %c0_i32 = arith.constant 0 : i32
    %c0_i32_0 = arith.constant 0 : i32
    %c0_i32_1 = arith.constant 0 : i32
    return %arg0, %arg1, %c0_i32, %c0_i32_0 : i32, i32, i32, i32
  }
}

</mosaic_0001>

<sc_bundles>
// kernel: sparse-core-data-format-call.cloned.1.call-start
scs
called_computation_lowered:
.L_overlay_start_0:
0x0: {  	s2 =	sld [smem:$0x3FD9]  }
0x1: {  	s3 =	sld [smem:$0x3FFE];
	_ =	sdelay $0x1  }
0x2: {  	s1 =	srdreg.scid  }
0x3: {  	s0 =	sand.u32 $0x1, s1  }
0x4: {  	s18 =	sshll.u32 s0, $0xA;
	s2 =	sadd.s32 s3, s2  }
0x5: {  	s2 =	sadd.s32 s2, s18  }
0x6: {  	[smem:$0x3FC5] =	sst s2  }
0x7: {  	_ = 	snop  }
0x8: {  	s2 =	sld [smem:$0x3FD0];
	(tm) =	ssettm $0x1  }
0x9: {  	s19 =	sld [smem:$0x3FFB];
	_ =	sdelay $0x3  }
0xa: {  	_ =	strace s19  }
0xb: {  	s3 =	sld [smem:$0x3FFC];
	_ =	sdelay $0x3  }
0xc: {  	_ =	strace s3  }
0xd: {  	s3 =	sld [smem:$0x3FFD];
	_ =	sdelay $0x3  }
0xe: {  	_ =	strace s3  }
0xf: {  	_ =	strace $0x8FFFFFFF  }
0x10: {  	s20 =	sld [smem:$0x3FDB];
	_ =	sdelay $0x1  }
0x11: {  	s4 =	simm.s32 $_scs_section_size  }
0x12: {  	s5 =	simm.s32 $_size__tile_overlayer_lowered;
	s6 =	simm.s32 $_tile_overlayer_lowered  }
0x13: {  	s23 =	simm.s32 $0x1BFF;
	s22 =	sshll.u32 s6, $0x1;
	s3 =	sadd.s32 s4, s20  }
0x14: {  	s7 =	simm.s32 $0x0;
	s21 =	sshll.u32 s5, $0x1;
	s5 =	sadd.s32 s22, s3  }
0x15: {  	[timem:s7], [sflag:s23] =	dma.local [hbm:s5], s21  }
0x16: {  	_ =	swait.ge [sflag:s23], s21  }
0x17: {  	s4 =	ssub.s32 $0x0, s21;
	[sflag:s23] =	ssyncset.done $0x0  }
0x18: {  	[sflag:s23] =	ssyncadd.s32 s4;
	_ =	sdelay $0x1  }
0x19: {  	s24 =	simm.s32 $0x1B8B  }
0x1a: {  	_ =	swait.ge [sflag:s24], $0x1  }
0x1b: {  	[sflag:s24] =	ssyncset.done $0x0  }
0x1c: {  	s26 =	simm.s32 $0x1B8E;
	s25 =	sld [smem:$0x3FFE];
	[sflag:s24] =	ssyncadd.s32 $0xFFFFFFFF  }
0x1d: {  	s27 =	simm.s32 $execute0_lowered;
	[smem:$0x3FD2] =	sst s26  }
0x1e: {  	s5 =	sshll.u32 s27, $0x1;
	_ =	strace $0x80000046;
	[dreg:$0x1] =	wrdreg $0xFFFFFFFF  }
0x1f: {  	s28 =	simm.s32 $_size_execute0_lowered;
	s3 =	sadd.s32 s3, s5;
	[dreg:$0x0] =	wrdreg $0x0  }
0x20: {  	s5 =	sshll.u32 s28, $0x1;
	[dreg:$0x2] =	wrdreg s3  }
0x21: {  	[dreg:$0x3] =	wrdreg s5  }
0x22: {  	[dreg:$0x4] =	wrdreg $0xC0  }
0x23: {  	_ =	task [dreg:s7], $0x5FFFF  }
0x24: {  	[dreg:$0x1] =	wrdreg $0xFFFFFFFF  }
0x25: {  	[dreg:$0x0] =	wrdreg $0x60  }
0x26: {  	[dreg:$0x2] =	wrdreg s25  }
0x27: {  	[dreg:$0x3] =	wrdreg s2  }
0x28: {  	[dreg:$0x4] =	wrdreg $0x9  }
0x29: {  	_ =	task.clear_ibuf [dreg:s7], $0x5FFFF;
	_ =	strace $0x90000046  }
0x2a: {  	s29 =	simm.s32 $0x9;
	_ =	strace $0x80000048  }
0x2b: {  	_ =	swait.ge [sflag:s29], $0x1  }
0x2c: {  	[sflag:s29] =	ssyncadd.s32 $0xFFFFFFFF  }
0x2d: {  	_ =	strace $0x90000048  }
0x2e: {  	_ =	sfence  }
0x2f: {  	s30 =	sld [smem:$0x0];
	_ =	sdelay $0x2  }
0x30: {  	s31 =	sshll.u32 s1, $0xD;
	s1 =	sshrl.u32 s1, $0x2  }
0x31: {  	s3 =	sand.u32 $0x4000, s31;
	s1 =	sadd.s32 s1, s30  }
0x32: {  	s0 =	sor.u32 s3, s0;
	s1 =	sshll.u32 s1, $0x11  }
0x33: {  	s0 =	sor.u32 s1, s0  }
0x34: {  	s0 =	sadd.s32 $0x8F2B, s0  }
0x35: {  	[sflag:s0] =	ssyncadd.remote.s32 $0x1  }
0x36: {  	_ =	sfence.sel $0xFFFF  }
0x37: {  	[dreg:$0x0] =	wrdreg $0xFFFFFFFF;
	(pc) =	sbr.abs _section_cstart, $3  }
0x38: {  	[dreg:$0x1] =	wrdreg $0xFFFFFFFF  }
0x39: {  	_ =	task.clear_ibuf [dreg:s7], $0x2FFFF;
	_ =	strace $0x9FFFFFFF  }
0x3a: {  	(tm) =	ssettm $0x7FFFFFFF  }
0x3b: {  	_ =	shalt  }
tec
execute0_lowered:
.L_overlay_start_1:
0x0: {  	(tag) =	ssettag $0x1  }
0x1: {  	s1 =	srdreg.scid  }
0x2: {  	s0 =	stileid.u32;
	s5 =	rddreg [dreg:$0x0];
	s1 =	sshll.u32 s1, $0x4  }
0x3: {  	s9 =	simm.s32 $0x2;
	s20 =	simm.s32 $0x0;
	s1 =	sor.u32 s0, s1  }
0x4: {  	s11 =	simm.s32 $0x7000;
	s12 =	simm.s32 $0x400;
	s1 =	sshrl.u32 s1, $0x1  }
0x5: {  	s19 =	simm.s32 $0x0;
	s18 =	simm.s32 $0x0;
	s1 =	sand.u32 $0xE, s1  }
0x6: {  	s21 =	simm.s32 $0x0;
	s2 =	sand.u32 $0x1, s0;
	s3 =	ssub.s32 $0xE0, s1  }
0x7: {  	s13 =	simm.s32 $0x0;
	s4 =	ssub.s32 $0x2, s2;
	s6 =	sand.u32 $0xE, s3  }
0x8: {  	s7 =	sshrl.u32 s4, $0x1;
	p0 =	sne.s32 s6, $0x0;
	s6 =	simm.s32 $0x1  }
0x9: {  	s8 =	sand.u32 $0x1, s4;
	s3 =	sshrl.u32 s3, $0x4;
	s6 =	simm.s32 @!p0 $0x0  }
0xa: {  	s17 =	simm.s32 $0x0;
	s7 =	sadd.s32 s8, s7;
	s6 =	sadd.s32 s6, s3  }
0xb: {  	s5 =	sadd.s32 $0x800, s5;
	s31 =	sshll.u32 s0, $0x6;
	s7 =	smul.u32 s6, s7  }
.Ltmp0:
0xc: {  	s16 =	smov.u32 s2;
	s4 =	rddreg [dreg:$0x1];
	(pc) =	sbr.rel .LBB1_1-.Ltmp0, $4  }
0xd: {  	s8 =	sand.u32 $0x80, s31;
	s14 =	smov.u32 s1;
	s3 =	rddreg [dreg:$0x2]  }
0xe: {  	_ =	strace $0x80000047;
	s6 =	simm.s32 $0x1;
	s7 =	smul.u32 $0x7, s7  }
0xf: {  	s15 =	smov.u32 s8;
	p0 =	por $0x0, $0x0;
	[sflag:s6] =	ssyncpa.u1 $0x0  }
0x10: {  	[sflag:s9] =	ssyncpa.u1 $0x0;
	s9 =	sadd.s32 $0xE00, s4;
	s10 =	sadd.s32 $0x1, s7  }
.LBB1_6:
0x11: {  	s26 =	sshll.u32 s20, $0x8;
	s27 =	sshll.u32 s18, $0x3  }
0x12: {  	s30 =	sshll.u32 s20, $0x7;
	s26 =	sand.u32 $0xFFFFF800, s26;
	s27 =	sand.u32 $0xFFFFFC00, s27  }
0x13: {  	s20 =	sand.u32 $0x300, s30;
	s26 =	sadd.s32 s27, s26  }
0x14: {  	s20 =	sor.u32 s20, s26  }
0x15: {  	s21 =	smul.u32 $0xC4000, s21;
	s20 =	sshrl.u32 s20, $0x8  }
0x16: {  	s31 =	smulhi.u32 $0x124924A, s20  }
0x17: {  	v1 =	vperm.xlane.i2c.b16 v1;
	v0 =	vperm.xlane.i2c.b16 v0;
	s25 =	sshra.s32 s25, $0x2;
	s19 =	smul.u32 $0xE00, s19;
	s29 =	sand.u32 $0x7, s18  }
0x18: {  	s24 =	sadd.s32 s25, s24;
	s27 =	sshrl.u32 s18, $0x3;
	s26 =	smul.u32 $0xE0, s31  }
0x19: {  	v2 =	vcombine.low v0, v1;
	s28 =	sadd.s32 s21, s19;
	s18 =	sshll.u32 s29, $0x12;
	s21 =	sadd.s32 s21, s9  }
0x1a: {  	v0 =	vcombine.high v0, v1;
	s25 =	sand.u32 $0xF, s27;
	s20 =	ssub.s32 s20, s26;
	s26 =	sadd.s32 s4, s28  }
0x1b: {  	s19 =	sadd.s32 s19, s21;
	[tilespmem:s24+$0x0 ss:$0x81] =	vst.msk $0xffff, v2;
	s20 =	sshll.u32 s20, $0x4;
	s26 =	sadd.s32 s25, s26  }
0x1c: {  	s18 =	sor.u32 $0x200, s18;
	s19 =	sadd.s32 s25, s19;
	[tilespmem:s24+$0x810 ss:$0x81] =	vst.msk $0xffff, v0;
	s30 =	sadd.s32 s20, s26  }
0x1d: {  	[hbm4b:s30+s18] =	stream.strided.scatter [tilespmem:s23], [sflag:$0x2], $0x800, s12, s18, $0x20;
	[tilespmem:$0x4040] =	vst v63  }
0x1e: {  	s31 =	sadd.s32 $0x2810, s22;
	s19 =	sadd.s32 s20, s19  }
0x1f: {  	[hbm4b:s19+s18] =	stream.strided.scatter [tilespmem:s31], [sflag:$0x2], $0x800, s12, s18, $0x20;
	[tilespmem:$0x4040] =	vst v63  }
.LBB1_7:
0x20: {  	s22 =	sadd.s32 $0x20, s13  }
0x21: {  	s18 =	sadd.s32 $0x10, s14;
	s23 =	smov.u32 s14;
	p2 =	sgt.s32 s22, $0xDF  }
0x22: {  	s23 =	smov.u32 @p2 s18  }
0x23: {  	s24 =	smov.u32 s15;
	s18 =	sadd.s32 $0x100, s15;
	p3 =	sgt.s32 s23, $0xDF  }
0x24: {  	s24 =	smov.u32 @p3 s18  }
0x25: {  	s25 =	smov.u32 s16;
	s18 =	sadd.s32 $0x2, s16;
	p4 =	sgt.s32 s24, $0xBF  }
0x26: {  	p1 =	slt.u32 s17, $0x2;
	s25 =	smov.u32 @p4 s18  }
0x27: {  	s20 =	smov.u32 s13;
	s22 =	simm.s32 @p2 $0x0;
	p2 =	sgt.s32 s25, $0x1  }
0x28: {  	s26 =	simm.s32 @!p1 $0x2;
	s25 =	smov.u32 @p2 s2;
	p2 =	sne.s32 s17, s10  }
.Ltmp1:
0x29: {  	s19 =	smov.u32 s14;
	_ =	swait.ge @!p1 [sflag:s26], $0x1000;
	(pc) =	sbr.rel @!p2 .LBB1_8-.Ltmp1, $4  }
0x2a: {  	s21 =	smov.u32 s16;
	p0 =	por !p0, !p0;
	[sflag:s26] =	ssyncset.done @!p1 $0x0  }
0x2b: {  	s13 =	smov.u32 s22;
	s23 =	smov.u32 @p3 s1;
	[sflag:s26] =	ssyncadd.s32 @!p1 $0xFFFFF000  }
0x2c: {  	s14 =	smov.u32 s23;
	s24 =	smov.u32 @p4 s8;
	s18 =	smov.u32 s15  }
0x2d: {  	s15 =	smov.u32 s24;
	s17 =	sadd.s32 $0x1, s17;
	s16 =	smov.u32 s25  }
.LBB1_1:
0x2e: {  	p1 =	sge.u32 s17, s7  }
.Ltmp2:
0x2f: {  	_ = 	snop;
	(pc) =	sbr.rel @p1 .LBB1_3-.Ltmp2, $1  }
0x30: {  	_ =	sdelay $0x3  }
0x31: {  	s22 =	sshll.u32 s14, $0x8  }
0x32: {  	s23 =	sshll.u32 s13, $0x3;
	s31 =	sshll.u32 s14, $0x7;
	p1 =	sgt.s32 s16, $0x1  }
0x33: {  	s24 =	smov.u32 s16;
	s25 =	sshra.s32 s16, $0x1F;
	s26 =	smov.u32 s15  }
0x34: {  	s27 =	sshra.s32 s15, $0x1F;
	s28 =	sshra.s32 s14, $0x1F;
	s30 =	sshra.s32 s13, $0x1F  }
0x35: {  	s22 =	sand.u32 $0xFFFFF800, s22;
	s23 =	sand.u32 $0xFFFFFC00, s23;
	s24 =	simm.s32 @!p1 $0x1  }
0x36: {  	s25 =	sand.u32 s25, s16;
	p1 =	sgt.s32 s15, $0x40;
	s27 =	sand.u32 s27, s15  }
0x37: {  	s29 =	sand.u32 s28, s14;
	s22 =	sadd.s32 s22, s23;
	s25 =	sxor.u32 $0xFFFFFFFF, s25  }
0x38: {  	s23 =	sand.u32 $0x300, s31;
	s26 =	simm.s32 @!p1 $0x40;
	s25 =	sadd.s32 s25, s24  }
0x39: {  	s22 =	sor.u32 s23, s22;
	s26 =	ssub.s32 s26, s27;
	p1 =	sgt.s32 s25, $0x0  }
0x3a: {  	s23 =	ssub.s32 $0x1, s25;
	s27 =	sadd.s32 $0xFFFFFFC0, s26;
	s24 =	ssub.s32 $0xC0, s26  }
0x3b: {  	s25 =	smov.u32 s14;
	s26 =	sand.u32 s30, s13;
	s22 =	sshrl.u32 s22, $0x8  }
0x3c: {  	s30 =	smul.u32 $0xA8000, s16;
	s23 =	simm.s32 @p1 $0x0;
	p1 =	sgt.s32 s27, $0x7F  }
0x3d: {  	s28 =	smulhi.u32 $0x124924A, s22;
	s24 =	simm.s32 @p1 $0x0;
	p1 =	sgt.s32 s14, $0xDE  }
0x3e: {  	s23 =	smul.u32 s23, s24;
	s25 =	simm.s32 @!p1 $0xDE  }
0x3f: {  	p1 =	sgt.s32 s13, $0xE0;
	s24 =	ssub.s32 s25, s29;
	s25 =	smov.u32 s13  }
0x40: {  	s29 =	smul.u32 $0xE0, s28;
	s28 =	sshrl.u32 s13, $0x3;
	s31 =	sadd.s32 $0xFFFFFF22, s24  }
0x41: {  	s25 =	simm.s32 @!p1 $0xE0;
	s24 =	ssub.s32 $0xE0, s24;
	s27 =	sand.u32 $0xF, s28  }
0x42: {  	p1 =	sgt.s32 s31, $0x1;
	s25 =	ssub.s32 s25, s26;
	s22 =	ssub.s32 s22, s29  }
0x43: {  	s31 =	smul.u32 $0xE00, s15;
	s24 =	simm.s32 @p1 $0x0;
	s26 =	sadd.s32 $0xFFFFFF20, s25  }
0x44: {  	s23 =	smul.u32 s24, s23;
	p1 =	sgt.s32 s26, $0x1F;
	s24 =	ssub.s32 $0x100, s25  }
0x45: {  	s29 =	sand.u32 $0x7, s13;
	s22 =	sshll.u32 s22, $0x4;
	s24 =	simm.s32 @p1 $0x0  }
0x46: {  	s25 =	sxor.u32 $0xFFFFFFFF, s17;
	s26 =	sadd.s32 s5, s30;
	s23 =	smul.u32 s24, s23  }
0x47: {  	s25 =	sshll.u32 s25, $0xC;
	s24 =	sadd.s32 s31, s26;
	s26 =	sshll.u32 s29, $0x12  }
0x48: {  	s30 =	sand.u32 $0x1000, s25;
	s24 =	sadd.s32 s27, s24;
	s23 =	sshrl.u32 s23, $0x1  }
0x49: {  	s31 =	sor.u32 $0x20, s26;
	s22 =	sadd.s32 s22, s24;
	s23 =	sand.u32 $0x3FFFFFFF, s23  }
0x4a: {  	[tilespmem:s30], [sflag:$0x1] =	stream.strided.gather [hbm4b:s22+s31], s23, s11, s31, $0x38;
	[tilespmem:$0x4040] =	vst v63  }
.LBB1_3:
0x4b: {  	s22 =	sadd.s32 $0xFFFFFFFF, s17  }
0x4c: {  	p1 =	sge.u32 s22, s7  }
.Ltmp3:
0x4d: {  	_ = 	snop;
	(pc) =	sbr.rel @p1 .LBB1_7-.Ltmp3, $1  }
0x4e: {  	_ =	sdelay $0x3  }
0x4f: {  	p1 =	sgt.s32 s21, $0x1;
	s22 =	smov.u32 s21;
	s23 =	sshra.s32 s21, $0x1F  }
0x50: {  	s24 =	smov.u32 s18;
	s25 =	sshra.s32 s18, $0x1F;
	s26 =	sshra.s32 s19, $0x1F  }
0x51: {  	s22 =	simm.s32 @!p1 $0x1;
	s23 =	sand.u32 s23, s21;
	p1 =	sgt.s32 s18, $0x40  }
0x52: {  	s25 =	sand.u32 s25, s18;
	s23 =	sxor.u32 $0xFFFFFFFF, s23;
	s24 =	simm.s32 @!p1 $0x40  }
0x53: {  	s29 =	sshra.s32 s20, $0x1F;
	s22 =	sadd.s32 s23, s22;
	s25 =	ssub.s32 s24, s25  }
0x54: {  	p1 =	sgt.s32 s22, $0x0;
	s22 =	ssub.s32 $0x1, s22;
	s24 =	sadd.s32 $0xFFFFFFC0, s25  }
0x55: {  	s23 =	ssub.s32 $0xC0, s25;
	s22 =	simm.s32 @p1 $0x0;
	p1 =	sgt.s32 s24, $0x7F  }
0x56: {  	s24 =	smov.u32 s19;
	s23 =	simm.s32 @p1 $0x0;
	p1 =	sgt.s32 s19, $0xDE  }
0x57: {  	s28 =	sand.u32 s26, s19;
	s22 =	smul.u32 s22, s23;
	s24 =	simm.s32 @!p1 $0xDE  }
0x58: {  	p1 =	sgt.s32 s20, $0xE0;
	s23 =	ssub.s32 s24, s28;
	s24 =	smov.u32 s20  }
0x59: {  	s25 =	sand.u32 s29, s20;
	s26 =	sadd.s32 $0xFFFFFF22, s23;
	s24 =	simm.s32 @!p1 $0xE0  }
0x5a: {  	s23 =	ssub.s32 $0xE0, s23;
	p1 =	sgt.s32 s26, $0x1;
	s24 =	ssub.s32 s24, s25  }
0x5b: {  	s23 =	simm.s32 @p1 $0x0;
	s25 =	sadd.s32 $0xFFFFFF20, s24  }
0x5c: {  	s22 =	smul.u32 s23, s22;
	p1 =	sgt.s32 s25, $0x1F;
	s23 =	ssub.s32 $0x100, s24  }
0x5d: {  	s23 =	simm.s32 @p1 $0x0  }
0x5e: {  	s22 =	smul.u32 s23, s22;
	_ =	sdelay $0x1  }
0x5f: {  	s24 =	simm.s32 $0x1;
	s22 =	sshrl.u32 s22, $0x1  }
0x60: {  	s24 =	simm.s32 @!p0 $0x0;
	s22 =	sand.u32 $0x3FFFFFFF, s22  }
0x61: {  	s30 =	smul.u32 $0x4080, s24;
	_ =	swait.ge [sflag:s6], s22  }
0x62: {  	s24 =	sshll.u32 s24, $0xC;
	s22 =	ssub.s32 $0x0, s22;
	[sflag:s6] =	ssyncset.done $0x0  }
0x63: {  	s27 =	sor.u32 $0x10, s24;
	[sflag:s6] =	ssyncadd.s32 s22  }
0x64: {  	v0 =	vld [tilespmem:s27+$0xFFFFFFF0]  }
0x65: {  	s31 =	sand.u32 $0x1, s17;
	v1 =	vld [tilespmem:s27+$0x0]  }
0x66: {  	s25 =	smul.u32 $0x4080, s31  }
0x67: {  	s23 =	sshrl.u32 s30, $0x2  }
0x68: {  	s26 =	simm.s32 $0x4;
	s24 =	sor.u32 $0x2000, s23;
	s22 =	sshrl.u32 s25, $0x2  }
0x69: {  	s25 =	simm.s32 $0x0;
	s23 =	sor.u32 $0x2000, s22;
	s27 =	sadd.s32 $0x20, s27  }
.LBB1_5:
0x6a: {  	v2 =	vperm.xlane.i2c.b16 v1;
	v3 =	vperm.xlane.i2c.b16 v0;
	v0 =	vld [tilespmem:s27+$0xFFFFFFF0];
	s28 =	smov.u32 s26;
	p1 =	sne.s32 s26, $0x1FC  }
.Ltmp4:
0x6b: {  	v1 =	vld [tilespmem:s27+$0x0];
	(pc) =	sbr.rel @p1 .LBB1_5-.Ltmp4, $4  }
0x6c: {  	s26 =	sadd.s32 $0x4, s26;
	s25 =	sshra.s32 s25, $0x2;
	v4 =	vcombine.low v3, v2  }
0x6d: {  	s29 =	sadd.s32 s25, s24;
	s25 =	smov.u32 s28;
	v2 =	vcombine.high v3, v2  }
0x6e: {  	[tilespmem:s29+$0x0 ss:$0x81] =	vst.msk $0xffff, v4  }
0x6f: {  	s27 =	sadd.s32 $0x20, s27;
	[tilespmem:s29+$0x810 ss:$0x81] =	vst.msk $0xffff, v2  }
.Ltmp5:
0x70: {  	_ = 	snop;
	(pc) =	sbr.rel .LBB1_6-.Ltmp5, $1  }
0x71: {  	_ =	sdelay $0x3  }
.LBB1_8:
0x72: {  	_ =	sfence.sel $0x180000  }
0x73: {  	s1 =	simm.s32 $0x1;
	[bflag:$0x0] =	sbarrier.arrive $0xFFFF  }
0x74: {  	s31 =	simm.s32 $0x2;
	[sflag:s1] =	ssyncpa.u1 $0x1  }
0x75: {  	[sflag:s31] =	ssyncpa.u1 $0x1  }
0x76: {  	p0 =	sne.s32 s0, $0x0;
	_ =	strace $0x90000047  }
0x77: {  	s0 =	sadd.s32 @!p0 $0x100000, s3;
	[bflag:$0x2] =	sbarrier.arrive $0xFFFF  }
0x78: {  	[sflag:s0] =	ssyncadd.tile.s32 @!p0 $0x1;
	_ =	shalt  }
.Lfunc_end1:
_tile_overlayer_lowered:
.L_overlay_start_2:
0x79: {  	(tag) =	ssettag $0x2  }
0x7a: {  	s0 =	rddreg [dreg:$0x0];
	s2 =	stileid.u32  }
0x7b: {  	s1 =	rddreg [dreg:$0x1];
	p0 =	sne.s32 s2, $0x0  }
0x7c: {  	s3 =	rddreg [dreg:$0x2];
	[bflag:$0x3] =	sbarrier.arrive $0xFFFF;
	s2 =	simm.s32 @!p0 $0x1C01  }
0x7d: {  	[timem:s3], [sflag:s2] =	dma.local @!p0 [hbm:s0], s1  }
0x7e: {  	s0 =	simm.s32 @!p0 $0x1  }
0x7f: {  	_ =	swait.ge @!p0 [sflag:s0], s1  }
0x80: {  	s1 =	ssub.s32 @!p0 $0x0, s1;
	[sflag:s0] =	ssyncset.done @!p0 $0x0  }
0x81: {  	[sflag:s0] =	ssyncadd.s32 @!p0 s1  }
0x82: {  	[bflag:$0x3] =	sbarrier.arrive $0xFFFF  }
0x83: {  	_ =	shalt  }

</sc_bundles>
